<compile_context>
chip_gen: v7x
topology: tpu7x:2x2x1
jax: 0.10.2.dev20260603
libtpu: 0.0.44.dev20260713+nightly
codegen_flags: <defaults>
</compile_context>

<pallas_src>
import jax
import jax.numpy as jnp
from jax.experimental import pallas as pl
from jax.experimental.pallas import tpu as pltpu
from jax.experimental.pallas import tpu_sc as plsc
import functools

B = 16384
A = 6
AP = 8
H = 256
D = 64
K = 1024
BETA = 0.25
RECONS_W = 1.0

BBLK = 2048
NBLK = B // BBLK


def _enc_kernel(a_ref, w1_ref, b1_ref, w2_ref, b2_ref, w3_ref, b3_ref, e_ref):
    h = jnp.maximum(jnp.dot(a_ref[...], w1_ref[...],
                            preferred_element_type=jnp.float32) + b1_ref[...], 0.0)
    h = jnp.maximum(jnp.dot(h, w2_ref[...],
                            preferred_element_type=jnp.float32) + b2_ref[...], 0.0)
    e_ref[...] = jnp.dot(h, w3_ref[...],
                         preferred_element_type=jnp.float32) + b3_ref[...]


def _vq_kernel(e_ref, en_ref, cbt_ref, idx_ref):
    cbt = cbt_ref[...]
    cn = jnp.sum(cbt * cbt, axis=0, keepdims=True)
    d2 = (en_ref[...] - 2.0 * jnp.dot(e_ref[...], cbt,
                                      preferred_element_type=jnp.float32)) + cn
    m2 = jnp.min(d2, axis=1, keepdims=True)
    y = jnp.maximum(m2, 0.0)
    s = jnp.sqrt(y)
    yb = jax.lax.bitcast_convert_type(y, jnp.int32)
    kinc = jax.lax.broadcasted_iota(jnp.int32, (1, 32), 1)
    cand = jax.lax.bitcast_convert_type(yb + kinc, jnp.float32)
    ok = jnp.sqrt(cand) <= s
    t = jnp.max(jnp.where(ok, cand, y), axis=1, keepdims=True)
    lanes = jax.lax.broadcasted_iota(jnp.int32, (1, K), 1)
    idx = jnp.min(jnp.where(d2 <= t, lanes, jnp.int32(K)), axis=1).astype(jnp.int32)
    idx_ref[...] = idx[None, None, :]


_SC_INFO = plsc.get_sparse_core_info()
_NW = _SC_INFO.num_cores * _SC_INFO.num_subcores
_BPW = B // _NW


def _sc_gather(codebook_p, idx):
    mesh = plsc.VectorSubcoreMesh(core_axis_name="c", subcore_axis_name="s")

    @functools.partial(
        pl.kernel, mesh=mesh,
        out_type=jax.ShapeDtypeStruct((B, 128), jnp.float32),
        scratch_types=[
            pltpu.VMEM((_BPW,), jnp.int32),
            pltpu.VMEM((_BPW, 128), jnp.float32),
            pltpu.SemaphoreType.DMA,
        ],
    )
    def k(table_hbm, idx_hbm, out_hbm, idx_v, rows_v, sem):
        wid = jax.lax.axis_index("s") * _SC_INFO.num_cores + jax.lax.axis_index("c")
        base = wid * _BPW
        pltpu.sync_copy(idx_hbm.at[pl.ds(base, _BPW)], idx_v)
        pltpu.async_copy(table_hbm.at[idx_v], rows_v, sem).wait()
        pltpu.sync_copy(rows_v, out_hbm.at[pl.ds(base, _BPW)])

    return k(codebook_p, idx)


def _dec_kernel(a_ref, e_ref, q_ref, wd1_ref, bd1_ref, wd2_ref, bd2_ref,
                wd3_ref, bd3_ref, qst_ref, acc_ref, scal_ref):
    i = pl.program_id(0)
    e = e_ref[...]
    q = q_ref[:, :D]
    qst = e + (q - e)
    qst_ref[...] = qst
    hd = jnp.maximum(jnp.dot(qst, wd1_ref[...],
                             preferred_element_type=jnp.float32) + bd1_ref[...], 0.0)
    hd = jnp.maximum(jnp.dot(hd, wd2_ref[...],
                             preferred_element_type=jnp.float32) + bd2_ref[...], 0.0)
    r = jnp.tanh(jnp.dot(hd, wd3_ref[...],
                         preferred_element_type=jnp.float32) + bd3_ref[...])
    dq = q - e
    dr = r - a_ref[...]
    lane = jax.lax.broadcasted_iota(jnp.int32, (1, 128), 1)
    vals = jnp.where(lane == 0, jnp.sum(dq * dq),
                     jnp.where(lane == 1, jnp.sum(dr * dr), 0.0))

    @pl.when(i == 0)
    def _init():
        acc_ref[...] = vals

    @pl.when(i > 0)
    def _accum():
        acc_ref[...] = acc_ref[...] + vals

    @pl.when(i == NBLK - 1)
    def _finalize():
        accv = acc_ref[...]
        s_vq = jnp.sum(jnp.where(lane == 0, accv, 0.0))
        s_rec = jnp.sum(jnp.where(lane == 1, accv, 0.0))
        vq_mse = s_vq / (B * D)
        vq_loss = vq_mse * BETA + vq_mse
        recons_loss = s_rec / (B * A)
        total = RECONS_W * recons_loss + vq_loss
        scal_ref[...] = jnp.where(
            lane == 0, total,
            jnp.where(lane == 1, recons_loss,
                      jnp.where(lane == 2, vq_loss, vq_mse)))


def kernel(action, W1, b1, W2, b2, W3, b3, codebook,
           Wd1, bd1, Wd2, bd2, Wd3, bd3):
    f32 = jnp.float32
    a_p = jnp.pad(action, ((0, 0), (0, AP - A)))
    w1_p = jnp.pad(W1, ((0, AP - A), (0, 0)))
    wd3_p = jnp.pad(Wd3, ((0, 0), (0, AP - A)))
    bd3_p = jnp.pad(bd3, (0, AP - A)).reshape(1, AP)
    cbt = codebook.T

    rep = lambda i: (0, 0)
    e = pl.pallas_call(
        _enc_kernel,
        grid=(NBLK,),
        in_specs=[
            pl.BlockSpec((BBLK, AP), lambda i: (i, 0)),
            pl.BlockSpec((AP, H), rep),
            pl.BlockSpec((1, H), rep),
            pl.BlockSpec((H, H), rep),
            pl.BlockSpec((1, H), rep),
            pl.BlockSpec((H, D), rep),
            pl.BlockSpec((1, D), rep),
        ],
        out_specs=pl.BlockSpec((BBLK, D), lambda i: (i, 0)),
        out_shape=jax.ShapeDtypeStruct((B, D), f32),
        compiler_params=pltpu.CompilerParams(
            dimension_semantics=("arbitrary",)),
    )(a_p, w1_p, b1.reshape(1, H), W2, b2.reshape(1, H), W3, b3.reshape(1, D))

    en = jnp.sum(e ** 2, axis=1, keepdims=True)

    idx_out = pl.pallas_call(
        _vq_kernel,
        grid=(NBLK,),
        in_specs=[
            pl.BlockSpec((BBLK, D), lambda i: (i, 0)),
            pl.BlockSpec((BBLK, 1), lambda i: (i, 0)),
            pl.BlockSpec((D, K), rep),
        ],
        out_specs=pl.BlockSpec((1, 1, BBLK), lambda i: (i, 0, 0)),
        out_shape=jax.ShapeDtypeStruct((NBLK, 1, B // NBLK), jnp.int32),
        compiler_params=pltpu.CompilerParams(
            dimension_semantics=("arbitrary",)),
    )(e, en, cbt)
    idx_flat = idx_out.reshape(B)

    cb_p = jnp.pad(codebook, ((0, 0), (0, 128 - D)))
    q_pad = _sc_gather(cb_p, idx_flat)

    qst_out, acc, scal = pl.pallas_call(
        _dec_kernel,
        grid=(NBLK,),
        in_specs=[
            pl.BlockSpec((BBLK, AP), lambda i: (i, 0)),
            pl.BlockSpec((BBLK, D), lambda i: (i, 0)),
            pl.BlockSpec((BBLK, 128), lambda i: (i, 0)),
            pl.BlockSpec((D, H), rep),
            pl.BlockSpec((1, H), rep),
            pl.BlockSpec((H, H), rep),
            pl.BlockSpec((1, H), rep),
            pl.BlockSpec((H, AP), rep),
            pl.BlockSpec((1, AP), rep),
        ],
        out_specs=[
            pl.BlockSpec((BBLK, D), lambda i: (i, 0)),
            pl.BlockSpec((1, 128), rep),
            pl.BlockSpec((1, 128), rep),
        ],
        out_shape=[
            jax.ShapeDtypeStruct((B, D), f32),
            jax.ShapeDtypeStruct((1, 128), f32),
            jax.ShapeDtypeStruct((1, 128), f32),
        ],
        compiler_params=pltpu.CompilerParams(
            dimension_semantics=("arbitrary",)),
    )(a_p, e, q_pad, Wd1, bd1.reshape(1, H), Wd2, bd2.reshape(1, H), wd3_p, bd3_p)

    quantized_index = idx_flat
    quantized_embedding = qst_out
    total = scal[0, 0]
    recons_loss = scal[0, 1]
    vq_loss = scal[0, 2]
    embedding_loss = scal[0, 3]
    commitment_loss = scal[0, 3]
    return (total, recons_loss, vq_loss, embedding_loss, commitment_loss,
            quantized_index, quantized_embedding)

# --- scband reference (transcript-rebuilt; emitter-appended) ---
"""Pipeline reference for scband-vqvae-2851858284843 (READ-ONLY COPY).

The authoritative reference and input builder live on the scoring server;
editing this copy changes nothing except your own understanding.
"""

import jax, jax.numpy as jnp
import numpy as np

B = 16384
A = 6
H = 256
D = 64
K = 1024
BETA = 0.25
RECONS_W = 1.0


def setup_inputs(seed: int = 0) -> dict:
    key = jax.random.key(seed)
    ks = jax.random.split(key, 16)
    def lin(k, fan_in, fan_out):
        bound = 1.0 / np.sqrt(fan_in)
        kw, kb = jax.random.split(k)
        W = jax.random.uniform(kw, (fan_in, fan_out), minval=-bound, maxval=bound, dtype=jnp.float32)
        b = jax.random.uniform(kb, (fan_out,), minval=-bound, maxval=bound, dtype=jnp.float32)
        return W, b
    W1, b1 = lin(ks[0], A, H)
    W2, b2 = lin(ks[1], H, H)
    W3, b3 = lin(ks[2], H, D)
    Wd1, bd1 = lin(ks[3], D, H)
    Wd2, bd2 = lin(ks[4], H, H)
    Wd3, bd3 = lin(ks[5], H, A)
    codebook = jax.random.uniform(ks[6], (K, D), minval=-1.0 / K, maxval=1.0 / K, dtype=jnp.float32)
    action = jax.random.normal(ks[7], (B, A), dtype=jnp.float32)
    return {
        'action': action,
        'W1': W1, 'b1': b1, 'W2': W2, 'b2': b2, 'W3': W3, 'b3': b3,
        'codebook': codebook,
        'Wd1': Wd1, 'bd1': bd1, 'Wd2': Wd2, 'bd2': bd2, 'Wd3': Wd3, 'bd3': bd3,
    }


def reference(action, W1, b1, W2, b2, W3, b3, codebook, Wd1, bd1, Wd2, bd2, Wd3, bd3):
    # encoder
    h = jax.nn.relu(action @ W1 + b1)
    h = jax.nn.relu(h @ W2 + b2)
    encoding = h @ W3 + b3  # [B, D]
    # VectorQuantizer (non-EMA branch)
    # torch.cdist(encoding, codebook, p=2).sort()[1][:, 0] == argmin of L2 distance
    d2 = (jnp.sum(encoding ** 2, axis=1, keepdims=True)
          - 2.0 * encoding @ codebook.T
          + jnp.sum(codebook ** 2, axis=1)[None, :])
    dist = jnp.sqrt(jnp.maximum(d2, 0.0))
    quantized_index = jnp.argmin(dist, axis=1)  # [B]
    encoding_one_hot = jax.nn.one_hot(quantized_index, K, dtype=jnp.float32)  # [B, K]
    quantized_embedding = encoding_one_hot @ codebook  # [B, D]
    commitment_loss = jnp.mean((jax.lax.stop_gradient(quantized_embedding) - encoding) ** 2)
    embedding_loss = jnp.mean((quantized_embedding - jax.lax.stop_gradient(encoding)) ** 2)
    vq_loss = commitment_loss * BETA + embedding_loss
    # straight-through estimator
    quantized_embedding = encoding + jax.lax.stop_gradient(quantized_embedding - encoding)
    # decoder
    hd = jax.nn.relu(quantized_embedding @ Wd1 + bd1)
    hd = jax.nn.relu(hd @ Wd2 + bd2)
    recons_action = jnp.tanh(hd @ Wd3 + bd3)
    recons_loss = jnp.mean((recons_action - action) ** 2)
    total_vqvae_loss = RECONS_W * recons_loss + vq_loss
    return (total_vqvae_loss, recons_loss, vq_loss, embedding_loss, commitment_loss, quantized_index, quantized_embedding)

if __name__ == "__main__":
    import jax
    _d = setup_inputs()
    print(jax.jit(kernel)(*tuple(_d.values())))

</pallas_src>

<mosaic_0001>
#map = affine_map<(d0, d1) -> (0, 0)>
#map1 = affine_map<(d0, d1) -> (0)>
module attributes {stable_mosaic.version = 14 : i64} {
  func.func @k(%arg0: i32, %arg1: i32, %arg2: memref<1024x128xf32, #tpu.memory_space<hbm>>, %arg3: memref<16384xi32, #tpu.memory_space<hbm>>, %arg4: memref<16384x128xf32, #tpu.memory_space<hbm>>, %arg5: memref<512xi32, #tpu.memory_space<vmem>>, %arg6: memref<512x128xf32, #tpu.memory_space<vmem>>, %arg7: memref<!tpu.dma_semaphore, #tpu.memory_space<semaphore_mem>>) attributes {dimension_semantics = [#tpu.dimension_semantics<core_parallel>, #tpu.dimension_semantics<subcore_parallel>], iteration_bounds = array<i64: 2, 16>, scalar_prefetch = 0 : i64, scratch_operands = 3 : i64, tpu.core_type = #tpu.core_type<sc_vector_subcore>, window_params = [{transform_indices = #map}, {transform_indices = #map1}, {transform_indices = #map}]} {
    %mul3A = arith.constant 2 : i32
    %mul3A_0 = arith.muli %arg1, %mul3A : i32
    %add3A = arith.addi %mul3A_0, %arg0 : i32
    %mul3A_1 = arith.constant 512 : i32
    %mul3A_2 = arith.muli %add3A, %mul3A_1 : i32
    "tpu.region"() ({
      %run_scoped3A = tpu.sem_alloc : memref<!tpu.dma_semaphore, #tpu.memory_space<semaphore_mem>>
      %dma_start3A_7 = tpu.memref_slice %arg3[%mul3A_2] : memref<16384xi32, #tpu.memory_space<hbm>> -> memref<512xi32, #tpu.memory_space<hbm>>
      %dma_start3A_8 = tpu.memref_slice %arg3[%mul3A_2] : memref<16384xi32, #tpu.memory_space<hbm>> -> memref<512xi32, #tpu.memory_space<hbm>>
      tpu.enqueue_dma source(%dma_start3A_8 : memref<512xi32, #tpu.memory_space<hbm>>) target(%arg5 : memref<512xi32, #tpu.memory_space<vmem>>) target_semaphore(%run_scoped3A : memref<!tpu.dma_semaphore, #tpu.memory_space<semaphore_mem>>)
      %dma_wait3A_9 = tpu.memref_slice %arg3[%mul3A_2] : memref<16384xi32, #tpu.memory_space<hbm>> -> memref<512xi32, #tpu.memory_space<hbm>>
      %dma_wait3A_10 = tpu.memref_slice %arg3[%mul3A_2] : memref<16384xi32, #tpu.memory_space<hbm>> -> memref<512xi32, #tpu.memory_space<hbm>>
      tpu.wait_dma2 semaphore(%run_scoped3A : memref<!tpu.dma_semaphore, #tpu.memory_space<semaphore_mem>>) src(%dma_wait3A_10 : memref<512xi32, #tpu.memory_space<hbm>>) dst(%arg5 : memref<512xi32, #tpu.memory_space<vmem>>)
      tpu.yield
    }) : () -> ()
    %dma_start3A = arith.constant 0 : i32
    %dma_start3A_3 = arith.constant 0 : i32
    %dma_start3A_4 = tpu.memref_slice %arg2[%dma_start3A, %dma_start3A_3] : memref<1024x128xf32, #tpu.memory_space<hbm>> -> memref<1024x128xf32, #tpu.memory_space<hbm>>
    tpu.enqueue_indirect_dma source(%dma_start3A_4 : memref<1024x128xf32, #tpu.memory_space<hbm>>) target(%arg6 : memref<512x128xf32, #tpu.memory_space<vmem>>) offsets(%arg5 : memref<512xi32, #tpu.memory_space<vmem>>) semaphore(%arg7 : memref<!tpu.dma_semaphore, #tpu.memory_space<semaphore_mem>>)
    %dma_wait3A = arith.constant 0 : i32
    %dma_wait3A_5 = arith.constant 0 : i32
    %dma_wait3A_6 = tpu.memref_slice %arg2[%dma_wait3A, %dma_wait3A_5] : memref<1024x128xf32, #tpu.memory_space<hbm>> -> memref<1024x128xf32, #tpu.memory_space<hbm>>
    tpu.wait_indirect_dma semaphore(%arg7 : memref<!tpu.dma_semaphore, #tpu.memory_space<semaphore_mem>>) src(%dma_wait3A_6 : memref<1024x128xf32, #tpu.memory_space<hbm>>) dst(%arg6 : memref<512x128xf32, #tpu.memory_space<vmem>>)
    "tpu.region"() ({
      %run_scoped3A = tpu.sem_alloc : memref<!tpu.dma_semaphore, #tpu.memory_space<semaphore_mem>>
      %dma_start3A_7 = arith.constant 0 : i32
      %dma_start3A_8 = tpu.memref_slice %arg4[%mul3A_2, %dma_start3A_7] : memref<16384x128xf32, #tpu.memory_space<hbm>> -> memref<512x128xf32, #tpu.memory_space<hbm>>
      %dma_start3A_9 = arith.constant 0 : i32
      %dma_start3A_10 = tpu.memref_slice %arg4[%mul3A_2, %dma_start3A_9] : memref<16384x128xf32, #tpu.memory_space<hbm>> -> memref<512x128xf32, #tpu.memory_space<hbm>>
      tpu.enqueue_dma source(%arg6 : memref<512x128xf32, #tpu.memory_space<vmem>>) target(%dma_start3A_10 : memref<512x128xf32, #tpu.memory_space<hbm>>) target_semaphore(%run_scoped3A : memref<!tpu.dma_semaphore, #tpu.memory_space<semaphore_mem>>)
      %dma_wait3A_11 = arith.constant 0 : i32
      %dma_wait3A_12 = tpu.memref_slice %arg4[%mul3A_2, %dma_wait3A_11] : memref<16384x128xf32, #tpu.memory_space<hbm>> -> memref<512x128xf32, #tpu.memory_space<hbm>>
      %dma_wait3A_13 = arith.constant 0 : i32
      %dma_wait3A_14 = tpu.memref_slice %arg4[%mul3A_2, %dma_wait3A_13] : memref<16384x128xf32, #tpu.memory_space<hbm>> -> memref<512x128xf32, #tpu.memory_space<hbm>>
      tpu.wait_dma2 semaphore(%run_scoped3A : memref<!tpu.dma_semaphore, #tpu.memory_space<semaphore_mem>>) src(%arg6 : memref<512x128xf32, #tpu.memory_space<vmem>>) dst(%dma_wait3A_14 : memref<512x128xf32, #tpu.memory_space<hbm>>)
      tpu.yield
    }) : () -> ()
    return
  }
}

module attributes {stable_mosaic.version = 14 : i64} {
  func.func @_enc_kernel(%arg0: i32, %arg1: memref<2048x8xf32, #tpu.memory_space<vmem>>, %arg2: memref<8x256xf32, #tpu.memory_space<vmem>>, %arg3: memref<1x256xf32, #tpu.memory_space<vmem>>, %arg4: memref<256x256xf32, #tpu.memory_space<vmem>>, %arg5: memref<1x256xf32, #tpu.memory_space<vmem>>, %arg6: memref<256x64xf32, #tpu.memory_space<vmem>>, %arg7: memref<1x64xf32, #tpu.memory_space<vmem>>, %arg8: memref<2048x64xf32, #tpu.memory_space<vmem>>) attributes {dimension_semantics = [#tpu.dimension_semantics<arbitrary>], iteration_bounds = array<i64: 8>, scalar_prefetch = 0 : i64, scratch_operands = 0 : i64, tpu.core_type = #tpu.core_type<tc>, window_params = [{transform_indices = @transform_0, window_bounds = array<i64: 2048, 8>}, {pipeline_mode = #tpu.pipeline_mode<synchronous>, transform_indices = @transform_1, window_bounds = array<i64: 8, 256>}, {pipeline_mode = #tpu.pipeline_mode<synchronous>, transform_indices = @transform_2, window_bounds = array<i64: 1, 256>}, {pipeline_mode = #tpu.pipeline_mode<synchronous>, transform_indices = @transform_3, window_bounds = array<i64: 256, 256>}, {pipeline_mode = #tpu.pipeline_mode<synchronous>, transform_indices = @transform_4, window_bounds = array<i64: 1, 256>}, {pipeline_mode = #tpu.pipeline_mode<synchronous>, transform_indices = @transform_5, window_bounds = array<i64: 256, 64>}, {pipeline_mode = #tpu.pipeline_mode<synchronous>, transform_indices = @transform_6, window_bounds = array<i64: 1, 64>}, {transform_indices = @transform_7, window_bounds = array<i64: 2048, 64>}]} {
    %get3A = arith.constant 0 : index
    %get3A_0 = arith.constant 0 : index
    %get3A_1 = vector.load %arg1[%get3A, %get3A_0] : memref<2048x8xf32, #tpu.memory_space<vmem>>, vector<2048x8xf32>
    %get3A_2 = arith.constant 0 : index
    %get3A_3 = arith.constant 0 : index
    %get3A_4 = vector.load %arg2[%get3A_2, %get3A_3] : memref<8x256xf32, #tpu.memory_space<vmem>>, vector<8x256xf32>
    %dot_general3A = arith.constant dense<0.000000e+00> : vector<2048x256xf32>
    %dot_general3A_5 = tpu.matmul %get3A_1, %get3A_4, %dot_general3A {dimension_numbers = #tpu.dot_dimension_numbers<[1], [0], [0], [1], [0, 0, 1, 1], [], []>, transpose_lhs_hint = false} : vector<2048x8xf32>, vector<8x256xf32>, vector<2048x256xf32> -> vector<2048x256xf32>
    %get3A_6 = arith.constant 0 : index
    %get3A_7 = arith.constant 0 : index
    %get3A_8 = vector.load %arg3[%get3A_6, %get3A_7] : memref<1x256xf32, #tpu.memory_space<vmem>>, vector<1x256xf32>
    %add3A = vector.broadcast %get3A_8 : vector<1x256xf32> to vector<2048x256xf32>
    %add3A_9 = arith.addf %dot_general3A_5, %add3A : vector<2048x256xf32>
    %max3A = arith.constant 0.000000e+00 : f32
    %max3A_10 = vector.broadcast %max3A : f32 to vector<2048x256xf32>
    %max3A_11 = arith.maximumf %add3A_9, %max3A_10 : vector<2048x256xf32>
    %get3A_12 = arith.constant 0 : index
    %get3A_13 = arith.constant 0 : index
    %get3A_14 = vector.load %arg4[%get3A_12, %get3A_13] : memref<256x256xf32, #tpu.memory_space<vmem>>, vector<256x256xf32>
    %dot_general3A_15 = arith.constant dense<0.000000e+00> : vector<2048x256xf32>
    %dot_general3A_16 = tpu.matmul %max3A_11, %get3A_14, %dot_general3A_15 {dimension_numbers = #tpu.dot_dimension_numbers<[1], [0], [0], [1], [0, 0, 1, 1], [], []>, transpose_lhs_hint = false} : vector<2048x256xf32>, vector<256x256xf32>, vector<2048x256xf32> -> vector<2048x256xf32>
    %get3A_17 = arith.constant 0 : index
    %get3A_18 = arith.constant 0 : index
    %get3A_19 = vector.load %arg5[%get3A_17, %get3A_18] : memref<1x256xf32, #tpu.memory_space<vmem>>, vector<1x256xf32>
    %add3A_20 = vector.broadcast %get3A_19 : vector<1x256xf32> to vector<2048x256xf32>
    %add3A_21 = arith.addf %dot_general3A_16, %add3A_20 : vector<2048x256xf32>
    %max3A_22 = arith.constant 0.000000e+00 : f32
    %max3A_23 = vector.broadcast %max3A_22 : f32 to vector<2048x256xf32>
    %max3A_24 = arith.maximumf %add3A_21, %max3A_23 : vector<2048x256xf32>
    %get3A_25 = arith.constant 0 : index
    %get3A_26 = arith.constant 0 : index
    %get3A_27 = vector.load %arg6[%get3A_25, %get3A_26] : memref<256x64xf32, #tpu.memory_space<vmem>>, vector<256x64xf32>
    %dot_general3A_28 = arith.constant dense<0.000000e+00> : vector<2048x64xf32>
    %dot_general3A_29 = tpu.matmul %max3A_24, %get3A_27, %dot_general3A_28 {dimension_numbers = #tpu.dot_dimension_numbers<[1], [0], [0], [1], [0, 0, 1, 1], [], []>, transpose_lhs_hint = false} : vector<2048x256xf32>, vector<256x64xf32>, vector<2048x64xf32> -> vector<2048x64xf32>
    %get3A_30 = arith.constant 0 : index
    %get3A_31 = arith.constant 0 : index
    %get3A_32 = vector.load %arg7[%get3A_30, %get3A_31] : memref<1x64xf32, #tpu.memory_space<vmem>>, vector<1x64xf32>
    %add3A_33 = vector.broadcast %get3A_32 : vector<1x64xf32> to vector<2048x64xf32>
    %add3A_34 = arith.addf %dot_general3A_29, %add3A_33 : vector<2048x64xf32>
    %swap3A = arith.constant 0 : index
    %swap3A_35 = arith.constant 0 : index
    %swap3A_36 = vector.load %arg8[%swap3A, %swap3A_35] : memref<2048x64xf32, #tpu.memory_space<vmem>>, vector<2048x64xf32>
    tpu.vector_store %arg8[%swap3A, %swap3A_35], %add3A_34 {strides = array<i32>} : memref<2048x64xf32, #tpu.memory_space<vmem>>, vector<2048x64xf32>,
    return
  }
  func.func @transform_0(%arg0: i32) -> (i32, i32) {
    %c0_i32 = arith.constant 0 : i32
    %c0_i32_0 = arith.constant 0 : i32
    return %arg0, %c0_i32 : i32, i32
  }
  func.func @transform_1(%arg0: i32) -> (i32, i32) {
    %c0_i32 = arith.constant 0 : i32
    %c0_i32_0 = arith.constant 0 : i32
    %c0_i32_1 = arith.constant 0 : i32
    return %c0_i32, %c0_i32_0 : i32, i32
  }
  func.func @transform_2(%arg0: i32) -> (i32, i32) {
    %c0_i32 = arith.constant 0 : i32
    %c0_i32_0 = arith.constant 0 : i32
    %c0_i32_1 = arith.constant 0 : i32
    return %c0_i32, %c0_i32_0 : i32, i32
  }
  func.func @transform_3(%arg0: i32) -> (i32, i32) {
    %c0_i32 = arith.constant 0 : i32
    %c0_i32_0 = arith.constant 0 : i32
    %c0_i32_1 = arith.constant 0 : i32
    return %c0_i32, %c0_i32_0 : i32, i32
  }
  func.func @transform_4(%arg0: i32) -> (i32, i32) {
    %c0_i32 = arith.constant 0 : i32
    %c0_i32_0 = arith.constant 0 : i32
    %c0_i32_1 = arith.constant 0 : i32
    return %c0_i32, %c0_i32_0 : i32, i32
  }
  func.func @transform_5(%arg0: i32) -> (i32, i32) {
    %c0_i32 = arith.constant 0 : i32
    %c0_i32_0 = arith.constant 0 : i32
    %c0_i32_1 = arith.constant 0 : i32
    return %c0_i32, %c0_i32_0 : i32, i32
  }
  func.func @transform_6(%arg0: i32) -> (i32, i32) {
    %c0_i32 = arith.constant 0 : i32
    %c0_i32_0 = arith.constant 0 : i32
    %c0_i32_1 = arith.constant 0 : i32
    return %c0_i32, %c0_i32_0 : i32, i32
  }
  func.func @transform_7(%arg0: i32) -> (i32, i32) {
    %c0_i32 = arith.constant 0 : i32
    %c0_i32_0 = arith.constant 0 : i32
    return %arg0, %c0_i32 : i32, i32
  }
}

module attributes {stable_mosaic.version = 14 : i64} {
  func.func @_vq_kernel(%arg0: i32, %arg1: memref<2048x64xf32, #tpu.memory_space<vmem>>, %arg2: memref<2048x1xf32, #tpu.memory_space<vmem>>, %arg3: memref<64x1024xf32, #tpu.memory_space<vmem>>, %arg4: memref<1x1x2048xi32, #tpu.memory_space<vmem>>) attributes {dimension_semantics = [#tpu.dimension_semantics<arbitrary>], iteration_bounds = array<i64: 8>, scalar_prefetch = 0 : i64, scratch_operands = 0 : i64, tpu.core_type = #tpu.core_type<tc>, window_params = [{transform_indices = @transform_0, window_bounds = array<i64: 2048, 64>}, {transform_indices = @transform_1, window_bounds = array<i64: 2048, 1>}, {pipeline_mode = #tpu.pipeline_mode<synchronous>, transform_indices = @transform_2, window_bounds = array<i64: 64, 1024>}, {transform_indices = @transform_3, window_bounds = array<i64: 1, 1, 2048>}]} {
    %get3A = arith.constant 0 : index
    %get3A_0 = arith.constant 0 : index
    %get3A_1 = vector.load %arg3[%get3A, %get3A_0] : memref<64x1024xf32, #tpu.memory_space<vmem>>, vector<64x1024xf32>
    %mul3A = arith.mulf %get3A_1, %get3A_1 : vector<64x1024xf32>
    %reduce_sum3A = arith.constant dense<0.000000e+00> : vector<1024xf32>
    %reduce_sum3A_2 = vector.multi_reduction <add>, %mul3A, %reduce_sum3A [0] : vector<64x1024xf32> to vector<1024xf32>
    %broadcast_in_dim3A = vector.shape_cast %reduce_sum3A_2 : vector<1024xf32> to vector<1x1024xf32>
    %get3A_3 = arith.constant 0 : index
    %get3A_4 = arith.constant 0 : index
    %get3A_5 = vector.load %arg2[%get3A_3, %get3A_4] : memref<2048x1xf32, #tpu.memory_space<vmem>>, vector<2048x1xf32>
    %get3A_6 = arith.constant 0 : index
    %get3A_7 = arith.constant 0 : index
    %get3A_8 = vector.load %arg1[%get3A_6, %get3A_7] : memref<2048x64xf32, #tpu.memory_space<vmem>>, vector<2048x64xf32>
    %dot_general3A = arith.constant dense<0.000000e+00> : vector<2048x1024xf32>
    %dot_general3A_9 = tpu.matmul %get3A_8, %get3A_1, %dot_general3A {dimension_numbers = #tpu.dot_dimension_numbers<[1], [0], [0], [1], [0, 0, 1, 1], [], []>, transpose_lhs_hint = false} : vector<2048x64xf32>, vector<64x1024xf32>, vector<2048x1024xf32> -> vector<2048x1024xf32>
    %mul3A_10 = arith.constant 2.000000e+00 : f32
    %mul3A_11 = vector.broadcast %mul3A_10 : f32 to vector<2048x1024xf32>
    %mul3A_12 = arith.mulf %mul3A_11, %dot_general3A_9 : vector<2048x1024xf32>
    %sub3A = vector.broadcast %get3A_5 : vector<2048x1xf32> to vector<2048x1024xf32>
    %sub3A_13 = arith.subf %sub3A, %mul3A_12 : vector<2048x1024xf32>
    %add3A = vector.broadcast %broadcast_in_dim3A : vector<1x1024xf32> to vector<2048x1024xf32>
    %add3A_14 = arith.addf %sub3A_13, %add3A : vector<2048x1024xf32>
    %reduce_min3A = arith.constant dense<0x7F800000> : vector<2048xf32>
    %reduce_min3A_15 = vector.multi_reduction <minimumf>, %add3A_14, %reduce_min3A [1] : vector<2048x1024xf32> to vector<2048xf32>
    %broadcast_in_dim3A_16 = vector.shape_cast %reduce_min3A_15 : vector<2048xf32> to vector<2048x1xf32>
    %max3A = arith.constant 0.000000e+00 : f32
    %max3A_17 = vector.broadcast %max3A : f32 to vector<2048x1xf32>
    %max3A_18 = arith.maximumf %broadcast_in_dim3A_16, %max3A_17 : vector<2048x1xf32>
    %sqrt3A = math.sqrt %max3A_18 : vector<2048x1xf32>
    %bitcast_convert_type3A = tpu.bitcast %max3A_18 : vector<2048x1xf32> -> vector<2048x1xi32>
    %iota3A = tpu.iota {dimensions = array<i32: 1>} : vector<1x32xi32>
    %add3A_19 = vector.broadcast %bitcast_convert_type3A : vector<2048x1xi32> to vector<2048x32xi32>
    %add3A_20 = vector.broadcast %iota3A : vector<1x32xi32> to vector<2048x32xi32>
    %add3A_21 = arith.addi %add3A_19, %add3A_20 : vector<2048x32xi32>
    %bitcast_convert_type3A_22 = tpu.bitcast %add3A_21 : vector<2048x32xi32> -> vector<2048x32xf32>
    %sqrt3A_23 = math.sqrt %bitcast_convert_type3A_22 : vector<2048x32xf32>
    %le3A = vector.broadcast %sqrt3A : vector<2048x1xf32> to vector<2048x32xf32>
    %le3A_24 = arith.cmpf ole, %sqrt3A_23, %le3A : vector<2048x32xf32>
    %broadcast_in_dim3A_25 = vector.shape_cast %max3A_18 : vector<2048x1xf32> to vector<2048x1xf32>
    %broadcast_in_dim3A_26 = vector.broadcast %broadcast_in_dim3A_25 : vector<2048x1xf32> to vector<2048x32xf32>
    %select_n3A = arith.select %le3A_24, %bitcast_convert_type3A_22, %broadcast_in_dim3A_26 : vector<2048x32xi1>, vector<2048x32xf32>
    %reduce_max3A = arith.constant dense<0xFF800000> : vector<2048xf32>
    %reduce_max3A_27 = vector.multi_reduction <maximumf>, %select_n3A, %reduce_max3A [1] : vector<2048x32xf32> to vector<2048xf32>
    %broadcast_in_dim3A_28 = vector.shape_cast %reduce_max3A_27 : vector<2048xf32> to vector<2048x1xf32>
    %iota3A_29 = tpu.iota {dimensions = array<i32: 1>} : vector<1x1024xi32>
    %le3A_30 = vector.broadcast %broadcast_in_dim3A_28 : vector<2048x1xf32> to vector<2048x1024xf32>
    %le3A_31 = arith.cmpf ole, %add3A_14, %le3A_30 : vector<2048x1024xf32>
    %jit3A = arith.constant 1024 : i32
    %broadcast_in_dim3A_32 = vector.shape_cast %iota3A_29 : vector<1x1024xi32> to vector<1x1024xi32>
    %broadcast_in_dim3A_33 = vector.broadcast %broadcast_in_dim3A_32 : vector<1x1024xi32> to vector<2048x1024xi32>
    %broadcast_in_dim3A_34 = vector.broadcast %jit3A : i32 to vector<2048x1024xi32>
    %select_n3A_35 = arith.select %le3A_31, %broadcast_in_dim3A_33, %broadcast_in_dim3A_34 : vector<2048x1024xi1>, vector<2048x1024xi32>
    %reduce_min3A_36 = arith.constant dense<2147483647> : vector<2048xi32>
    %reduce_min3A_37 = vector.multi_reduction <minsi>, %select_n3A_35, %reduce_min3A_36 [1] : vector<2048x1024xi32> to vector<2048xi32>
    %broadcast_in_dim3A_38 = vector.shape_cast %reduce_min3A_37 : vector<2048xi32> to vector<1x1x2048xi32>
    %swap3A = arith.constant 0 : index
    %swap3A_39 = arith.constant 0 : index
    %swap3A_40 = arith.constant 0 : index
    %swap3A_41 = vector.load %arg4[%swap3A, %swap3A_39, %swap3A_40] : memref<1x1x2048xi32, #tpu.memory_space<vmem>>, vector<1x1x2048xi32>
    tpu.vector_store %arg4[%swap3A, %swap3A_39, %swap3A_40], %broadcast_in_dim3A_38 {strides = array<i32>} : memref<1x1x2048xi32, #tpu.memory_space<vmem>>, vector<1x1x2048xi32>,
    return
  }
  func.func @transform_0(%arg0: i32) -> (i32, i32) {
    %c0_i32 = arith.constant 0 : i32
    %c0_i32_0 = arith.constant 0 : i32
    return %arg0, %c0_i32 : i32, i32
  }
  func.func @transform_1(%arg0: i32) -> (i32, i32) {
    %c0_i32 = arith.constant 0 : i32
    %c0_i32_0 = arith.constant 0 : i32
    return %arg0, %c0_i32 : i32, i32
  }
  func.func @transform_2(%arg0: i32) -> (i32, i32) {
    %c0_i32 = arith.constant 0 : i32
    %c0_i32_0 = arith.constant 0 : i32
    %c0_i32_1 = arith.constant 0 : i32
    return %c0_i32, %c0_i32_0 : i32, i32
  }
  func.func @transform_3(%arg0: i32) -> (i32, i32, i32) {
    %c0_i32 = arith.constant 0 : i32
    %c0_i32_0 = arith.constant 0 : i32
    %c0_i32_1 = arith.constant 0 : i32
    return %arg0, %c0_i32, %c0_i32_0 : i32, i32, i32
  }
}

module attributes {stable_mosaic.version = 14 : i64} {
  func.func @_dec_kernel(%arg0: i32, %arg1: memref<2048x8xf32, #tpu.memory_space<vmem>>, %arg2: memref<2048x64xf32, #tpu.memory_space<vmem>>, %arg3: memref<2048x128xf32, #tpu.memory_space<vmem>>, %arg4: memref<64x256xf32, #tpu.memory_space<vmem>>, %arg5: memref<1x256xf32, #tpu.memory_space<vmem>>, %arg6: memref<256x256xf32, #tpu.memory_space<vmem>>, %arg7: memref<1x256xf32, #tpu.memory_space<vmem>>, %arg8: memref<256x8xf32, #tpu.memory_space<vmem>>, %arg9: memref<1x8xf32, #tpu.memory_space<vmem>>, %arg10: memref<2048x64xf32, #tpu.memory_space<vmem>>, %arg11: memref<1x128xf32, #tpu.memory_space<vmem>>, %arg12: memref<1x128xf32, #tpu.memory_space<vmem>>) attributes {dimension_semantics = [#tpu.dimension_semantics<arbitrary>], iteration_bounds = array<i64: 8>, scalar_prefetch = 0 : i64, scratch_operands = 0 : i64, tpu.core_type = #tpu.core_type<tc>, window_params = [{transform_indices = @transform_0, window_bounds = array<i64: 2048, 8>}, {transform_indices = @transform_1, window_bounds = array<i64: 2048, 64>}, {transform_indices = @transform_2, window_bounds = array<i64: 2048, 128>}, {pipeline_mode = #tpu.pipeline_mode<synchronous>, transform_indices = @transform_3, window_bounds = array<i64: 64, 256>}, {pipeline_mode = #tpu.pipeline_mode<synchronous>, transform_indices = @transform_4, window_bounds = array<i64: 1, 256>}, {pipeline_mode = #tpu.pipeline_mode<synchronous>, transform_indices = @transform_5, window_bounds = array<i64: 256, 256>}, {pipeline_mode = #tpu.pipeline_mode<synchronous>, transform_indices = @transform_6, window_bounds = array<i64: 1, 256>}, {pipeline_mode = #tpu.pipeline_mode<synchronous>, transform_indices = @transform_7, window_bounds = array<i64: 256, 8>}, {pipeline_mode = #tpu.pipeline_mode<synchronous>, transform_indices = @transform_8, window_bounds = array<i64: 1, 8>}, {transform_indices = @transform_9, window_bounds = array<i64: 2048, 64>}, {pipeline_mode = #tpu.pipeline_mode<synchronous>, transform_indices = @transform_10, window_bounds = array<i64: 1, 128>}, {pipeline_mode = #tpu.pipeline_mode<synchronous>, transform_indices = @transform_11, window_bounds = array<i64: 1, 128>}]} {
    %get3A = arith.constant 0 : index
    %get3A_0 = arith.constant 0 : index
    %get3A_1 = vector.load %arg2[%get3A, %get3A_0] : memref<2048x64xf32, #tpu.memory_space<vmem>>, vector<2048x64xf32>
    %get3A_2 = arith.constant 0 : index
    %get3A_3 = arith.constant 0 : index
    %get3A_4 = vector.load %arg3[%get3A_2, %get3A_3] : memref<2048x128xf32, #tpu.memory_space<vmem>>, vector<2048x64xf32>
    %sub3A = arith.subf %get3A_4, %get3A_1 : vector<2048x64xf32>
    %add3A = arith.addf %get3A_1, %sub3A : vector<2048x64xf32>
    %swap3A = arith.constant 0 : index
    %swap3A_5 = arith.constant 0 : index
    %swap3A_6 = vector.load %arg10[%swap3A, %swap3A_5] : memref<2048x64xf32, #tpu.memory_space<vmem>>, vector<2048x64xf32>
    tpu.vector_store %arg10[%swap3A, %swap3A_5], %add3A {strides = array<i32>} : memref<2048x64xf32, #tpu.memory_space<vmem>>, vector<2048x64xf32>,
    %get3A_7 = arith.constant 0 : index
    %get3A_8 = arith.constant 0 : index
    %get3A_9 = vector.load %arg4[%get3A_7, %get3A_8] : memref<64x256xf32, #tpu.memory_space<vmem>>, vector<64x256xf32>
    %dot_general3A = arith.constant dense<0.000000e+00> : vector<2048x256xf32>
    %dot_general3A_10 = tpu.matmul %add3A, %get3A_9, %dot_general3A {dimension_numbers = #tpu.dot_dimension_numbers<[1], [0], [0], [1], [0, 0, 1, 1], [], []>, transpose_lhs_hint = false} : vector<2048x64xf32>, vector<64x256xf32>, vector<2048x256xf32> -> vector<2048x256xf32>
    %get3A_11 = arith.constant 0 : index
    %get3A_12 = arith.constant 0 : index
    %get3A_13 = vector.load %arg5[%get3A_11, %get3A_12] : memref<1x256xf32, #tpu.memory_space<vmem>>, vector<1x256xf32>
    %add3A_14 = vector.broadcast %get3A_13 : vector<1x256xf32> to vector<2048x256xf32>
    %add3A_15 = arith.addf %dot_general3A_10, %add3A_14 : vector<2048x256xf32>
    %max3A = arith.constant 0.000000e+00 : f32
    %max3A_16 = vector.broadcast %max3A : f32 to vector<2048x256xf32>
    %max3A_17 = arith.maximumf %add3A_15, %max3A_16 : vector<2048x256xf32>
    %get3A_18 = arith.constant 0 : index
    %get3A_19 = arith.constant 0 : index
    %get3A_20 = vector.load %arg6[%get3A_18, %get3A_19] : memref<256x256xf32, #tpu.memory_space<vmem>>, vector<256x256xf32>
    %dot_general3A_21 = arith.constant dense<0.000000e+00> : vector<2048x256xf32>
    %dot_general3A_22 = tpu.matmul %max3A_17, %get3A_20, %dot_general3A_21 {dimension_numbers = #tpu.dot_dimension_numbers<[1], [0], [0], [1], [0, 0, 1, 1], [], []>, transpose_lhs_hint = false} : vector<2048x256xf32>, vector<256x256xf32>, vector<2048x256xf32> -> vector<2048x256xf32>
    %get3A_23 = arith.constant 0 : index
    %get3A_24 = arith.constant 0 : index
    %get3A_25 = vector.load %arg7[%get3A_23, %get3A_24] : memref<1x256xf32, #tpu.memory_space<vmem>>, vector<1x256xf32>
    %add3A_26 = vector.broadcast %get3A_25 : vector<1x256xf32> to vector<2048x256xf32>
    %add3A_27 = arith.addf %dot_general3A_22, %add3A_26 : vector<2048x256xf32>
    %max3A_28 = arith.constant 0.000000e+00 : f32
    %max3A_29 = vector.broadcast %max3A_28 : f32 to vector<2048x256xf32>
    %max3A_30 = arith.maximumf %add3A_27, %max3A_29 : vector<2048x256xf32>
    %get3A_31 = arith.constant 0 : index
    %get3A_32 = arith.constant 0 : index
    %get3A_33 = vector.load %arg8[%get3A_31, %get3A_32] : memref<256x8xf32, #tpu.memory_space<vmem>>, vector<256x8xf32>
    %dot_general3A_34 = arith.constant dense<0.000000e+00> : vector<2048x8xf32>
    %dot_general3A_35 = tpu.matmul %max3A_30, %get3A_33, %dot_general3A_34 {dimension_numbers = #tpu.dot_dimension_numbers<[1], [0], [0], [1], [0, 0, 1, 1], [], []>, transpose_lhs_hint = false} : vector<2048x256xf32>, vector<256x8xf32>, vector<2048x8xf32> -> vector<2048x8xf32>
    %get3A_36 = arith.constant 0 : index
    %get3A_37 = arith.constant 0 : index
    %get3A_38 = vector.load %arg9[%get3A_36, %get3A_37] : memref<1x8xf32, #tpu.memory_space<vmem>>, vector<1x8xf32>
    %add3A_39 = vector.broadcast %get3A_38 : vector<1x8xf32> to vector<2048x8xf32>
    %add3A_40 = arith.addf %dot_general3A_35, %add3A_39 : vector<2048x8xf32>
    %tanh3A = math.tanh %add3A_40 : vector<2048x8xf32>
    %sub3A_41 = arith.subf %get3A_4, %get3A_1 : vector<2048x64xf32>
    %get3A_42 = arith.constant 0 : index
    %get3A_43 = arith.constant 0 : index
    %get3A_44 = vector.load %arg1[%get3A_42, %get3A_43] : memref<2048x8xf32, #tpu.memory_space<vmem>>, vector<2048x8xf32>
    %sub3A_45 = arith.subf %tanh3A, %get3A_44 : vector<2048x8xf32>
    %iota3A = tpu.iota {dimensions = array<i32: 1>} : vector<1x128xi32>
    %eq3A = arith.constant 0 : i32
    %eq3A_46 = vector.broadcast %eq3A : i32 to vector<1x128xi32>
    %eq3A_47 = arith.cmpi eq, %iota3A, %eq3A_46 : vector<1x128xi32>
    %mul3A = arith.mulf %sub3A_41, %sub3A_41 : vector<2048x64xf32>
    %reduce_sum3A = vector.shape_cast %mul3A : vector<2048x64xf32> to vector<1x2048x64xf32>
    %reduce_sum3A_48 = arith.constant dense<0.000000e+00> : vector<1xf32>
    %reduce_sum3A_49 = vector.multi_reduction <add>, %reduce_sum3A, %reduce_sum3A_48 [1, 2] : vector<1x2048x64xf32> to vector<1xf32>
    %reduce_sum3A_50 = vector.shape_cast %reduce_sum3A_49 : vector<1xf32> to vector<1x1x1xf32>
    %reduce_sum3A_51 = vector.extract %reduce_sum3A_50[0, 0, 0] : f32 from vector<1x1x1xf32>
    %eq3A_52 = arith.constant 1 : i32
    %eq3A_53 = vector.broadcast %eq3A_52 : i32 to vector<1x128xi32>
    %eq3A_54 = arith.cmpi eq, %iota3A, %eq3A_53 : vector<1x128xi32>
    %mul3A_55 = arith.mulf %sub3A_45, %sub3A_45 : vector<2048x8xf32>
    %reduce_sum3A_56 = vector.shape_cast %mul3A_55 : vector<2048x8xf32> to vector<1x2048x8xf32>
    %reduce_sum3A_57 = arith.constant dense<0.000000e+00> : vector<1xf32>
    %reduce_sum3A_58 = vector.multi_reduction <add>, %reduce_sum3A_56, %reduce_sum3A_57 [1, 2] : vector<1x2048x8xf32> to vector<1xf32>
    %reduce_sum3A_59 = vector.shape_cast %reduce_sum3A_58 : vector<1xf32> to vector<1x1x1xf32>
    %reduce_sum3A_60 = vector.extract %reduce_sum3A_59[0, 0, 0] : f32 from vector<1x1x1xf32>
    %jit3A = arith.constant 0.000000e+00 : f32
    %broadcast_in_dim3A = vector.broadcast %reduce_sum3A_60 : f32 to vector<1x128xf32>
    %broadcast_in_dim3A_61 = vector.broadcast %jit3A : f32 to vector<1x128xf32>
    %select_n3A = arith.select %eq3A_54, %broadcast_in_dim3A, %broadcast_in_dim3A_61 : vector<1x128xi1>, vector<1x128xf32>
    %broadcast_in_dim3A_62 = vector.broadcast %reduce_sum3A_51 : f32 to vector<1x128xf32>
    %select_n3A_63 = arith.select %eq3A_47, %broadcast_in_dim3A_62, %select_n3A : vector<1x128xi1>, vector<1x128xf32>
    %eq3A_64 = arith.constant 0 : i32
    %eq3A_65 = arith.cmpi eq, %arg0, %eq3A_64 : i32
    %convert_element_type3A = arith.extui %eq3A_65 : i1 to i32
    %cond3A = arith.constant 0 : i32
    %cond3A_66 = arith.cmpi ne, %convert_element_type3A, %cond3A : i32
    scf.if %cond3A_66 {
      %swap3A_76 = arith.constant 0 : index
      %swap3A_77 = arith.constant 0 : index
      %swap3A_78 = vector.load %arg11[%swap3A_76, %swap3A_77] : memref<1x128xf32, #tpu.memory_space<vmem>>, vector<1x128xf32>
      tpu.vector_store %arg11[%swap3A_76, %swap3A_77], %select_n3A_63 {strides = array<i32>} : memref<1x128xf32, #tpu.memory_space<vmem>>, vector<1x128xf32>,
    } else {
    }
    %gt3A = arith.constant 0 : i32
    %gt3A_67 = arith.cmpi sgt, %arg0, %gt3A : i32
    %convert_element_type3A_68 = arith.extui %gt3A_67 : i1 to i32
    %cond3A_69 = arith.constant 0 : i32
    %cond3A_70 = arith.cmpi ne, %convert_element_type3A_68, %cond3A_69 : i32
    scf.if %cond3A_70 {
      %get3A_76 = arith.constant 0 : index
      %get3A_77 = arith.constant 0 : index
      %get3A_78 = vector.load %arg11[%get3A_76, %get3A_77] : memref<1x128xf32, #tpu.memory_space<vmem>>, vector<1x128xf32>
      %add3A_79 = arith.addf %get3A_78, %select_n3A_63 : vector<1x128xf32>
      %swap3A_80 = arith.constant 0 : index
      %swap3A_81 = arith.constant 0 : index
      %swap3A_82 = vector.load %arg11[%swap3A_80, %swap3A_81] : memref<1x128xf32, #tpu.memory_space<vmem>>, vector<1x128xf32>
      tpu.vector_store %arg11[%swap3A_80, %swap3A_81], %add3A_79 {strides = array<i32>} : memref<1x128xf32, #tpu.memory_space<vmem>>, vector<1x128xf32>,
    } else {
    }
    %eq3A_71 = arith.constant 7 : i32
    %eq3A_72 = arith.cmpi eq, %arg0, %eq3A_71 : i32
    %convert_element_type3A_73 = arith.extui %eq3A_72 : i1 to i32
    %cond3A_74 = arith.constant 0 : i32
    %cond3A_75 = arith.cmpi ne, %convert_element_type3A_73, %cond3A_74 : i32
    scf.if %cond3A_75 {
      %get3A_76 = arith.constant 0 : index
      %get3A_77 = arith.constant 0 : index
      %get3A_78 = vector.load %arg11[%get3A_76, %get3A_77] : memref<1x128xf32, #tpu.memory_space<vmem>>, vector<1x128xf32>
      %eq3A_79 = arith.constant 0 : i32
      %eq3A_80 = vector.broadcast %eq3A_79 : i32 to vector<1x128xi32>
      %eq3A_81 = arith.cmpi eq, %iota3A, %eq3A_80 : vector<1x128xi32>
      %jit3A_82 = arith.constant 0.000000e+00 : f32
      %broadcast_in_dim3A_83 = vector.broadcast %jit3A_82 : f32 to vector<1x128xf32>
      %select_n3A_84 = arith.select %eq3A_81, %get3A_78, %broadcast_in_dim3A_83 : vector<1x128xi1>, vector<1x128xf32>
      %reduce_sum3A_85 = vector.shape_cast %select_n3A_84 : vector<1x128xf32> to vector<1x1x128xf32>
      %reduce_sum3A_86 = arith.constant dense<0.000000e+00> : vector<1xf32>
      %reduce_sum3A_87 = vector.multi_reduction <add>, %reduce_sum3A_85, %reduce_sum3A_86 [1, 2] : vector<1x1x128xf32> to vector<1xf32>
      %reduce_sum3A_88 = vector.shape_cast %reduce_sum3A_87 : vector<1xf32> to vector<1x1x1xf32>
      %reduce_sum3A_89 = vector.extract %reduce_sum3A_88[0, 0, 0] : f32 from vector<1x1x1xf32>
      %eq3A_90 = arith.constant 1 : i32
      %eq3A_91 = vector.broadcast %eq3A_90 : i32 to vector<1x128xi32>
      %eq3A_92 = arith.cmpi eq, %iota3A, %eq3A_91 : vector<1x128xi32>
      %jit3A_93 = arith.constant 0.000000e+00 : f32
      %broadcast_in_dim3A_94 = vector.broadcast %jit3A_93 : f32 to vector<1x128xf32>
      %select_n3A_95 = arith.select %eq3A_92, %get3A_78, %broadcast_in_dim3A_94 : vector<1x128xi1>, vector<1x128xf32>
      %reduce_sum3A_96 = vector.shape_cast %select_n3A_95 : vector<1x128xf32> to vector<1x1x128xf32>
      %reduce_sum3A_97 = arith.constant dense<0.000000e+00> : vector<1xf32>
      %reduce_sum3A_98 = vector.multi_reduction <add>, %reduce_sum3A_96, %reduce_sum3A_97 [1, 2] : vector<1x1x128xf32> to vector<1xf32>
      %reduce_sum3A_99 = vector.shape_cast %reduce_sum3A_98 : vector<1xf32> to vector<1x1x1xf32>
      %reduce_sum3A_100 = vector.extract %reduce_sum3A_99[0, 0, 0] : f32 from vector<1x1x1xf32>
      %div3A = arith.constant 0x49800000 : f32
      %div3A_101 = arith.divf %reduce_sum3A_89, %div3A : f32
      %mul3A_102 = arith.constant 2.500000e-01 : f32
      %mul3A_103 = arith.mulf %div3A_101, %mul3A_102 : f32
      %add3A_104 = arith.addf %mul3A_103, %div3A_101 : f32
      %div3A_105 = arith.constant 9.830400e+04 : f32
      %div3A_106 = arith.divf %reduce_sum3A_100, %div3A_105 : f32
      %mul3A_107 = arith.constant 1.000000e+00 : f32
      %mul3A_108 = arith.mulf %mul3A_107, %div3A_106 : f32
      %add3A_109 = arith.addf %mul3A_108, %add3A_104 : f32
      %eq3A_110 = arith.constant 0 : i32
      %eq3A_111 = vector.broadcast %eq3A_110 : i32 to vector<1x128xi32>
      %eq3A_112 = arith.cmpi eq, %iota3A, %eq3A_111 : vector<1x128xi32>
      %eq3A_113 = arith.constant 1 : i32
      %eq3A_114 = vector.broadcast %eq3A_113 : i32 to vector<1x128xi32>
      %eq3A_115 = arith.cmpi eq, %iota3A, %eq3A_114 : vector<1x128xi32>
      %eq3A_116 = arith.constant 2 : i32
      %eq3A_117 = vector.broadcast %eq3A_116 : i32 to vector<1x128xi32>
      %eq3A_118 = arith.cmpi eq, %iota3A, %eq3A_117 : vector<1x128xi32>
      %broadcast_in_dim3A_119 = vector.broadcast %add3A_104 : f32 to vector<1x128xf32>
      %broadcast_in_dim3A_120 = vector.broadcast %div3A_101 : f32 to vector<1x128xf32>
      %select_n3A_121 = arith.select %eq3A_118, %broadcast_in_dim3A_119, %broadcast_in_dim3A_120 : vector<1x128xi1>, vector<1x128xf32>
      %broadcast_in_dim3A_122 = vector.broadcast %div3A_106 : f32 to vector<1x128xf32>
      %select_n3A_123 = arith.select %eq3A_115, %broadcast_in_dim3A_122, %select_n3A_121 : vector<1x128xi1>, vector<1x128xf32>
      %broadcast_in_dim3A_124 = vector.broadcast %add3A_109 : f32 to vector<1x128xf32>
      %select_n3A_125 = arith.select %eq3A_112, %broadcast_in_dim3A_124, %select_n3A_123 : vector<1x128xi1>, vector<1x128xf32>
      %swap3A_126 = arith.constant 0 : index
      %swap3A_127 = arith.constant 0 : index
      %swap3A_128 = vector.load %arg12[%swap3A_126, %swap3A_127] : memref<1x128xf32, #tpu.memory_space<vmem>>, vector<1x128xf32>
      tpu.vector_store %arg12[%swap3A_126, %swap3A_127], %select_n3A_125 {strides = array<i32>} : memref<1x128xf32, #tpu.memory_space<vmem>>, vector<1x128xf32>,
    } else {
    }
    return
  }
  func.func @transform_0(%arg0: i32) -> (i32, i32) {
    %c0_i32 = arith.constant 0 : i32
    %c0_i32_0 = arith.constant 0 : i32
    return %arg0, %c0_i32 : i32, i32
  }
  func.func @transform_1(%arg0: i32) -> (i32, i32) {
    %c0_i32 = arith.constant 0 : i32
    %c0_i32_0 = arith.constant 0 : i32
    return %arg0, %c0_i32 : i32, i32
  }
  func.func @transform_2(%arg0: i32) -> (i32, i32) {
    %c0_i32 = arith.constant 0 : i32
    %c0_i32_0 = arith.constant 0 : i32
    return %arg0, %c0_i32 : i32, i32
  }
  func.func @transform_3(%arg0: i32) -> (i32, i32) {
    %c0_i32 = arith.constant 0 : i32
    %c0_i32_0 = arith.constant 0 : i32
    %c0_i32_1 = arith.constant 0 : i32
    return %c0_i32, %c0_i32_0 : i32, i32
  }
  func.func @transform_4(%arg0: i32) -> (i32, i32) {
    %c0_i32 = arith.constant 0 : i32
    %c0_i32_0 = arith.constant 0 : i32
    %c0_i32_1 = arith.constant 0 : i32
    return %c0_i32, %c0_i32_0 : i32, i32
  }
  func.func @transform_5(%arg0: i32) -> (i32, i32) {
    %c0_i32 = arith.constant 0 : i32
    %c0_i32_0 = arith.constant 0 : i32
    %c0_i32_1 = arith.constant 0 : i32
    return %c0_i32, %c0_i32_0 : i32, i32
  }
  func.func @transform_6(%arg0: i32) -> (i32, i32) {
    %c0_i32 = arith.constant 0 : i32
    %c0_i32_0 = arith.constant 0 : i32
    %c0_i32_1 = arith.constant 0 : i32
    return %c0_i32, %c0_i32_0 : i32, i32
  }
  func.func @transform_7(%arg0: i32) -> (i32, i32) {
    %c0_i32 = arith.constant 0 : i32
    %c0_i32_0 = arith.constant 0 : i32
    %c0_i32_1 = arith.constant 0 : i32
    return %c0_i32, %c0_i32_0 : i32, i32
  }
  func.func @transform_8(%arg0: i32) -> (i32, i32) {
    %c0_i32 = arith.constant 0 : i32
    %c0_i32_0 = arith.constant 0 : i32
    %c0_i32_1 = arith.constant 0 : i32
    return %c0_i32, %c0_i32_0 : i32, i32
  }
  func.func @transform_9(%arg0: i32) -> (i32, i32) {
    %c0_i32 = arith.constant 0 : i32
    %c0_i32_0 = arith.constant 0 : i32
    return %arg0, %c0_i32 : i32, i32
  }
  func.func @transform_10(%arg0: i32) -> (i32, i32) {
    %c0_i32 = arith.constant 0 : i32
    %c0_i32_0 = arith.constant 0 : i32
    %c0_i32_1 = arith.constant 0 : i32
    return %c0_i32, %c0_i32_0 : i32, i32
  }
  func.func @transform_11(%arg0: i32) -> (i32, i32) {
    %c0_i32 = arith.constant 0 : i32
    %c0_i32_0 = arith.constant 0 : i32
    %c0_i32_1 = arith.constant 0 : i32
    return %c0_i32, %c0_i32_0 : i32, i32
  }
}

</mosaic_0001>

<sc_bundles>
// kernel: kernel.6.cloned.1.call-start
scs
__scs_entry_jumppad:
0x0: {  	(pc) =	sbr.rel $0x88, $3  }
0x1: {  	(tag) =	ssettag $0x0;
	lr =	simm.s32 $0x1  }
0x2: {  	[smem:$0x3F93] =	sst lr;
	_ =	strace $0xD0000000  }
0x3: {  	_ = 	snop  }
0x4: {  	_ = 	snop  }
0x5: {  	_ = 	snop  }
0x6: {  	_ = 	snop  }
0x7: {  	_ = 	snop  }
__scs_overlays_trampoline_lowered:
0x8: {  	[smem:$0x3FA2] =	sst s0  }
0x9: {  	[smem:$0x3FA3] =	sst s1  }
0xa: {  	[smem:$0x3FA4] =	sst s2  }
0xb: {  	[smem:$0x3FA5] =	sst s3  }
0xc: {  	[smem:$0x3FA6] =	sst s4  }
0xd: {  	[smem:$0x3FA7] =	sst s5  }
0xe: {  	[smem:$0x3FA8] =	sst s6  }
0xf: {  	[smem:$0x3FA9] =	sst s7  }
0x10: {  	[smem:$0x3FAA] =	sst s8  }
0x11: {  	[smem:$0x3FAB] =	sst s9;
	s0 =	simm.s32 @!p0 $0x0  }
0x12: {  	s1 =	sld [smem:$0x3F91];
	s0 =	simm.s32 @p0 $0x1  }
0x13: {  	[smem:$0x3FAC] =	sst s0;
	s0 =	simm.s32 @!p1 $0x0  }
0x14: {  	s2 =	sld [smem:$0x3F90];
	s0 =	simm.s32 @p1 $0x1  }
0x15: {  	[smem:$0x3FAD] =	sst s0;
	s0 =	simm.s32 @!p2 $0x0  }
0x16: {  	s3 =	sld [smem:$0x3FDB];
	s0 =	simm.s32 @p2 $0x1  }
0x17: {  	s4 =	simm.s32 $0x1BF5;
	[smem:$0x3FAF] =	sst s0  }
0x18: {  	s0 =	sld [smem:$0x3F92];
	_ =	swait.ge [sflag:s4], $0x0  }
0x19: {  	s7 =	sld [smem:$0x3F93]  }
0x1a: {  	s8 =	sadd.s32 $0xFFFFE003, lr  }
0x1b: {  	s9 =	sadd.s32 $0xFFFFFEF7, lr;
	s5 =	simm.s32 $0xFFFFFFFF;
	p2 =	slt.u32 s8, $0xFFFFF086  }
0x1c: {  	p1 =	slt.u32 s9, $0xF7A;
	s5 =	simm.s32 @!p2 $0x0  }
0x1d: {  	s5 =	simm.s32 @p1 $0x1;
	p0 =	seq.s32 s7, s2  }
0x1e: {  	s7 =	smul.u32 @!p0 $0xF7A, s2;
	p2 =	seq.s32 @!p0 s5, $0x0  }
0x1f: {  	s9 =	smul.u32 $0xF7A, s1;
	s8 =	simm.s32 @!p0 $0x1BF5;
	p2 =	por !p2, p0  }
0x20: {  	[sflag:s8] =	ssyncset.s32 @!p0 $0xFFFFF086;
	s6 =	sadd.s32 @!p0 s3, s7;
	s7 =	simm.s32 @!p0 $0x108  }
0x21: {  	s3 =	sadd.s32 s3, s9;
	s6 =	sadd.s32 @!p0 $0x88, s6;
	s7 =	simm.s32 @p2 $0x1082  }
0x22: {  	[simem:s7], [sflag:s8] =	dma.local @!p0 [hbm:s6], $0xF7A  }
0x23: {  	s9 =	sor.u32 $0xD0000000, s2;
	s6 =	simm.s32 $0x108;
	_ =	swait.ge @!p0 [sflag:s8], $0x0  }
0x24: {  	s3 =	sadd.s32 $0x88, s3;
	s6 =	simm.s32 @!p1 $0x1082;
	[sflag:s4] =	ssyncset.s32 $0xFFFFF086  }
0x25: {  	[simem:s6], [sflag:s4] =	dma.local [hbm:s3], $0xF7A  }
0x26: {  	[smem:$0x3F93] =	sst s1;
	(tag) =	ssettag s2;
	_ =	strace s9  }
0x27: {  	s1 =	sld [smem:$0x3FA3]  }
0x28: {  	s2 =	sld [smem:$0x3FA4]  }
0x29: {  	s4 =	sld [smem:$0x3FA6]  }
0x2a: {  	p0 =	seq.s32 s5, $0x0;
	s5 =	sld [smem:$0x3FA7]  }
0x2b: {  	s6 =	sld [smem:$0x3FA8]  }
0x2c: {  	s7 =	sld [smem:$0x3FA9]  }
0x2d: {  	s3 =	simm.s32 $0x108;
	s8 =	sld [smem:$0x3FAA]  }
0x2e: {  	s3 =	simm.s32 @!p0 $0x1082;
	s9 =	sld [smem:$0x3FAB]  }
0x2f: {  	lr =	sadd.s32 s0, s3;
	s0 =	sld [smem:$0x3FA2]  }
0x30: {  	s3 =	sld [smem:$0x3FA5]  }
0x31: {  	[smem:$0x3FAE] =	sst s10  }
0x32: {  	s10 =	sld [smem:$0x3FAC];
	_ =	sdelay $0x3  }
0x33: {  	p0 =	seq.s32 s10, $0x1;
	s10 =	sld [smem:$0x3FAE];
	_ =	sdelay $0x3  }
0x34: {  	[smem:$0x3FAE] =	sst s10  }
0x35: {  	s10 =	sld [smem:$0x3FAD];
	_ =	sdelay $0x3  }
0x36: {  	p1 =	seq.s32 s10, $0x1;
	s10 =	sld [smem:$0x3FAE];
	_ =	sdelay $0x3  }
0x37: {  	[smem:$0x3FAE] =	sst s10  }
0x38: {  	s10 =	sld [smem:$0x3FAF]  }
0x39: {  	_ = 	snop;
	(pc) =	sbr.ind lr, $3  }
0x3a: {  	_ = 	snop  }
0x3b: {  	_ = 	snop  }
0x3c: {  	p2 =	seq.s32 s10, $0x1;
	s10 =	sld [smem:$0x3FAE]  }
0x3d: {  	_ =	shalt  }
0x3e: {  	_ =	shalt  }
0x3f: {  	_ =	shalt  }
0x40: {  	_ =	shalt  }
0x41: {  	_ =	shalt  }
0x42: {  	_ =	shalt  }
0x43: {  	_ =	shalt  }
0x44: {  	_ =	shalt  }
0x45: {  	_ =	shalt  }
0x46: {  	_ =	shalt  }
0x47: {  	_ =	shalt  }
0x48: {  	_ =	shalt  }
0x49: {  	_ =	shalt  }
0x4a: {  	_ =	shalt  }
0x4b: {  	_ =	shalt  }
0x4c: {  	_ =	shalt  }
0x4d: {  	_ =	shalt  }
0x4e: {  	_ =	shalt  }
0x4f: {  	_ =	shalt  }
0x50: {  	_ =	shalt  }
0x51: {  	_ =	shalt  }
0x52: {  	_ =	shalt  }
0x53: {  	_ =	shalt  }
0x54: {  	_ =	shalt  }
0x55: {  	_ =	shalt  }
0x56: {  	_ =	shalt  }
0x57: {  	_ =	shalt  }
0x58: {  	_ =	shalt  }
0x59: {  	_ =	shalt  }
0x5a: {  	_ =	shalt  }
0x5b: {  	_ =	shalt  }
0x5c: {  	_ =	shalt  }
0x5d: {  	_ =	shalt  }
0x5e: {  	_ =	shalt  }
0x5f: {  	_ =	shalt  }
0x60: {  	_ =	shalt  }
0x61: {  	_ =	shalt  }
0x62: {  	_ =	shalt  }
0x63: {  	_ =	shalt  }
0x64: {  	_ =	shalt  }
0x65: {  	_ =	shalt  }
0x66: {  	_ =	shalt  }
0x67: {  	_ =	shalt  }
0x68: {  	_ =	shalt  }
0x69: {  	_ =	shalt  }
0x6a: {  	_ =	shalt  }
0x6b: {  	_ =	shalt  }
0x6c: {  	_ =	shalt  }
0x6d: {  	_ =	shalt  }
0x6e: {  	_ =	shalt  }
0x6f: {  	_ =	shalt  }
0x70: {  	_ =	shalt  }
0x71: {  	_ =	shalt  }
0x72: {  	_ =	shalt  }
0x73: {  	_ =	shalt  }
0x74: {  	_ =	shalt  }
0x75: {  	_ =	shalt  }
0x76: {  	_ =	shalt  }
0x77: {  	_ =	shalt  }
0x78: {  	_ =	shalt  }
0x79: {  	_ =	shalt  }
0x7a: {  	_ =	shalt  }
0x7b: {  	_ =	shalt  }
0x7c: {  	_ =	shalt  }
0x7d: {  	_ =	shalt  }
0x7e: {  	_ =	shalt  }
0x7f: {  	_ =	shalt  }
0x80: {  	_ =	shalt  }
0x81: {  	_ =	shalt  }
0x82: {  	_ =	shalt  }
0x83: {  	_ =	shalt  }
0x84: {  	_ =	shalt  }
0x85: {  	_ =	shalt  }
0x86: {  	_ =	shalt  }
0x87: {  	_ =	shalt  }
.Lfunc_end0:
.L_simem_size_0:
called_computation_lowered:
.L_overlay_start_0:
0x88: {  	s2 =	sld [smem:$0x3FD9]  }
0x89: {  	s3 =	sld [smem:$0x3FFE];
	_ =	sdelay $0x1  }
0x8a: {  	s1 =	srdreg.scid  }
0x8b: {  	s0 =	sand.u32 $0x1, s1  }
0x8c: {  	s14 =	sshll.u32 s0, $0xA;
	s2 =	sadd.s32 s3, s2  }
0x8d: {  	s2 =	sadd.s32 s2, s14  }
0x8e: {  	[smem:$0x3FBA] =	sst s2  }
0x8f: {  	_ = 	snop  }
0x90: {  	s2 =	sld [smem:$0x3FD0];
	_ =	sdelay $0x2  }
0x91: {  	s15 =	simm.s32 $0xA;
	s4 =	simm.s32 $0x10  }
0x92: {  	[smem:s4], [sflag:s15] =	dma.local [hbm:s2], $0x1  }
0x93: {  	_ =	swait.eq [sflag:s15], $0x1  }
0x94: {  	[sflag:s15] =	ssyncset.done $0x0  }
0x95: {  	s16 =	sld [smem:$0x15];
	[sflag:s15] =	ssyncadd.s32 $0xFFFFFFFF  }
0x96: {  	s17 =	sld [smem:$0x16];
	(tm) =	ssettm $0x1  }
0x97: {  	s18 =	sld [smem:$0x3FFB];
	_ =	sdelay $0x3  }
0x98: {  	_ =	strace s18  }
0x99: {  	s4 =	sld [smem:$0x3FFC];
	_ =	sdelay $0x3  }
0x9a: {  	_ =	strace s4  }
0x9b: {  	s4 =	sld [smem:$0x3FFD];
	_ =	sdelay $0x3  }
0x9c: {  	_ =	strace s4  }
0x9d: {  	_ =	strace $0x8FFFFFFF  }
0x9e: {  	s19 =	sld [smem:$0x3FDB];
	_ =	sdelay $0x1  }
0x9f: {  	s5 =	simm.s32 $_scs_section_size  }
0xa0: {  	s6 =	simm.s32 $_size__tile_overlayer_lowered;
	s7 =	simm.s32 $_tile_overlayer_lowered  }
0xa1: {  	s22 =	simm.s32 $0x1BFF;
	s21 =	sshll.u32 s7, $0x1;
	s4 =	sadd.s32 s5, s19  }
0xa2: {  	s8 =	simm.s32 $0x0;
	s20 =	sshll.u32 s6, $0x1;
	s6 =	sadd.s32 s21, s4  }
0xa3: {  	[timem:s8], [sflag:s22] =	dma.local [hbm:s6], s20  }
0xa4: {  	_ =	swait.ge [sflag:s22], s20  }
0xa5: {  	s5 =	ssub.s32 $0x0, s20;
	[sflag:s22] =	ssyncset.done $0x0  }
0xa6: {  	[sflag:s22] =	ssyncadd.s32 s5;
	_ =	sdelay $0x1  }
0xa7: {  	s23 =	simm.s32 $0x1B8B  }
0xa8: {  	_ =	swait.ge [sflag:s23], $0x1  }
0xa9: {  	[sflag:s23] =	ssyncset.done $0x0  }
0xaa: {  	s25 =	simm.s32 $0x1B8E;
	s24 =	sld [smem:$0x3FFE];
	[sflag:s23] =	ssyncadd.s32 $0xFFFFFFFF  }
0xab: {  	s26 =	simm.s32 $execute0_lowered;
	[smem:$0x3FD2] =	sst s25  }
0xac: {  	s6 =	sshll.u32 s26, $0x1;
	_ =	strace $0x80000046;
	[dreg:$0x1] =	wrdreg $0xFFFFFFFF  }
0xad: {  	s28 =	simm.s32 $_size_execute0_lowered;
	s4 =	sadd.s32 s4, s6;
	[dreg:$0x0] =	wrdreg $0x0  }
0xae: {  	s6 =	sshll.u32 s28, $0x1;
	[dreg:$0x2] =	wrdreg s4  }
0xaf: {  	[dreg:$0x3] =	wrdreg s6  }
0xb0: {  	[dreg:$0x4] =	wrdreg $0xC0  }
0xb1: {  	_ =	task [dreg:s8], $0x5FFFF  }
0xb2: {  	[dreg:$0x1] =	wrdreg $0xFFFFFFFF  }
0xb3: {  	[dreg:$0x0] =	wrdreg $0x60  }
0xb4: {  	[dreg:$0x2] =	wrdreg s17  }
0xb5: {  	[dreg:$0x3] =	wrdreg s16  }
0xb6: {  	[dreg:$0x4] =	wrdreg s24  }
0xb7: {  	[dreg:$0x5] =	wrdreg $0x9  }
0xb8: {  	_ =	task.clear_ibuf [dreg:s8], $0x6FFFF;
	_ =	strace $0x90000046  }
0xb9: {  	s29 =	simm.s32 $0x9;
	_ =	strace $0x80000048  }
0xba: {  	_ =	swait.ge [sflag:s29], $0x1  }
0xbb: {  	[sflag:s29] =	ssyncadd.s32 $0xFFFFFFFF  }
0xbc: {  	_ =	strace $0x90000048  }
0xbd: {  	_ =	sfence  }
0xbe: {  	s30 =	sld [smem:$0x0];
	_ =	sdelay $0x2  }
0xbf: {  	s31 =	sshll.u32 s1, $0xD;
	s1 =	sshrl.u32 s1, $0x2  }
0xc0: {  	s3 =	sand.u32 $0x4000, s31;
	s1 =	sadd.s32 s1, s30  }
0xc1: {  	s0 =	sor.u32 s3, s0;
	s1 =	sshll.u32 s1, $0x11  }
0xc2: {  	s0 =	sor.u32 s1, s0  }
0xc3: {  	s0 =	sadd.s32 $0x8F2B, s0  }
0xc4: {  	[sflag:s0] =	ssyncadd.remote.s32 $0x1  }
0xc5: {  	_ =	sfence.sel $0xFFFF  }
0xc6: {  	[dreg:$0x0] =	wrdreg $0xFFFFFFFF;
	(pc) =	sbr.abs _section_cstart, $3  }
0xc7: {  	[dreg:$0x1] =	wrdreg $0xFFFFFFFF  }
0xc8: {  	_ =	task.clear_ibuf [dreg:s8], $0x2FFFF;
	_ =	strace $0x9FFFFFFF  }
0xc9: {  	(tm) =	ssettm $0x7FFFFFFF  }
tec
execute0_lowered:
.L_overlay_start_1:
0x0: {  	(tag) =	ssettag $0x1  }
0x1: {  	s1 =	rddreg [dreg:$0x0];
	s2 =	srdreg.scid  }
0x2: {  	s4 =	rddreg [dreg:$0x1];
	s0 =	stileid.u32  }
0x3: {  	s8 =	rddreg [dreg:$0x2];
	s3 =	simm.s32 $0x0;
	s6 =	sand.u32 $0x1, s2  }
0x4: {  	s5 =	sshll.u32 s0, $0xA;
	s2 =	rddreg [dreg:$0x3];
	s7 =	sshll.u32 s6, $0x9  }
0x5: {  	[smem:$0x7FF] =	sst s3;
	s9 =	sor.u32 s7, s5  }
0x6: {  	_ =	strace $0x80000047;
	s10 =	ssub.s32 $0x2, s6;
	s5 =	sshrl.u32 s9, $0x3  }
0x7: {  	s6 =	simm.s32 $0x200;
	s5 =	sadd.s32 s4, s5;
	s4 =	simm.s32 $0x2  }
0x8: {  	[tilespmem:s3], [sflag:$0x2] =	stream.linear.gather [hbm4b:s5+s3], $0x200, $0x38;
	[tilespmem:$0x10200] =	vst v63  }
0x9: {  	s7 =	simm.s32 $0x1;
	s11 =	sshrl.u32 s10, $0x1;
	_ =	swait.ge [sflag:s4], $0x200  }
0xa: {  	s9 =	sshll.u32 s9, $0x4;
	s31 =	ssub.s32 s10, s11;
	[sflag:s4] =	ssyncset.done $0x0  }
0xb: {  	s8 =	sadd.s32 s9, s8;
	s9 =	smax.u32 s31, $0x1;
	[sflag:s4] =	ssyncadd.s32 $0xFFFFFE00  }
0xc: {  	[tilespmem:s6], [sflag:$0x1] =	stream.indirect.gather [hbm4b:s1+s6], $0x80, s3, s6, $0xb8;
	[tilespmem:$0x10200] =	vst v63  }
0xd: {  	p0 =	sne.s32 s9, $0x1;
	_ =	swait.ge [sflag:s7], $0x10000  }
.Ltmp0:
0xe: {  	[sflag:s7] =	ssyncset.done $0x0;
	(pc) =	sbr.rel @!p0 .LBB2_2-.Ltmp0, $4  }
0xf: {  	s8 =	sadd.s32 $0x41C00, s8;
	[sflag:s7] =	ssyncadd.s32 $0xFFFF0000  }
0x10: {  	[hbm4b:s8+s3] =	stream.linear.scatter [tilespmem:s6], [sflag:$0x2], $0x10000, $0x38;
	[tilespmem:$0x10200] =	vst v63  }
0x11: {  	_ =	swait.ge [sflag:s4], $0x10000  }
0x12: {  	s9 =	sadd.s32 $0xFFFFFFFF, s9;
	[sflag:s4] =	ssyncset.done $0x0  }
.LBB2_1:
0x13: {  	p0 =	sne.s32 s9, $0x1;
	s9 =	sadd.s32 $0xFFFFFFFF, s9;
	[sflag:s4] =	ssyncadd.s32 $0xFFFF0000  }
0x14: {  	[tilespmem:s3], [sflag:$0x2] =	stream.linear.gather [hbm4b:s5+s3], $0x200, $0x38;
	[tilespmem:$0x10200] =	vst v63  }
0x15: {  	_ =	swait.ge [sflag:s4], $0x200  }
0x16: {  	[sflag:s4] =	ssyncset.done $0x0  }
0x17: {  	[sflag:s4] =	ssyncadd.s32 $0xFFFFFE00  }
0x18: {  	[tilespmem:s6], [sflag:$0x1] =	stream.indirect.gather [hbm4b:s1+s6], $0x80, s3, s6, $0xb8;
	[tilespmem:$0x10200] =	vst v63  }
0x19: {  	_ =	swait.ge [sflag:s7], $0x10000  }
.Ltmp1:
0x1a: {  	[sflag:s7] =	ssyncset.done $0x0;
	(pc) =	sbr.rel @p0 .LBB2_1-.Ltmp1, $4  }
0x1b: {  	[sflag:s7] =	ssyncadd.s32 $0xFFFF0000  }
0x1c: {  	[hbm4b:s8+s3] =	stream.linear.scatter [tilespmem:s6], [sflag:$0x2], $0x10000, $0x38;
	[tilespmem:$0x10200] =	vst v63  }
0x1d: {  	_ =	swait.ge [sflag:s4], $0x10000  }
0x1e: {  	[sflag:s4] =	ssyncset.done $0x0  }
.LBB2_2:
0x1f: {  	[sflag:s4] =	ssyncadd.s32 $0xFFFF0000  }
0x20: {  	_ =	sfence.sel $0x180000  }
0x21: {  	[bflag:$0x0] =	sbarrier.arrive $0xFFFF  }
0x22: {  	p0 =	sne.s32 s0, $0x0;
	_ =	strace $0x90000047  }
0x23: {  	s0 =	sadd.s32 @!p0 $0x100000, s2;
	[bflag:$0x2] =	sbarrier.arrive $0xFFFF  }
0x24: {  	[sflag:s0] =	ssyncadd.tile.s32 @!p0 $0x1;
	_ =	shalt  }
.Lfunc_end2:
_tile_overlayer_lowered:
.L_overlay_start_2:
0x25: {  	(tag) =	ssettag $0x2  }
0x26: {  	s0 =	rddreg [dreg:$0x0];
	s2 =	stileid.u32  }
0x27: {  	s1 =	rddreg [dreg:$0x1];
	p0 =	sne.s32 s2, $0x0  }
0x28: {  	s3 =	rddreg [dreg:$0x2];
	[bflag:$0x3] =	sbarrier.arrive $0xFFFF;
	s2 =	simm.s32 @!p0 $0x1C02  }
0x29: {  	[timem:s3], [sflag:s2] =	dma.local @!p0 [hbm:s0], s1  }
0x2a: {  	s0 =	simm.s32 @!p0 $0x2  }
0x2b: {  	_ =	swait.ge @!p0 [sflag:s0], s1  }
0x2c: {  	s1 =	ssub.s32 @!p0 $0x0, s1;
	[sflag:s0] =	ssyncset.done @!p0 $0x0  }
0x2d: {  	[sflag:s0] =	ssyncadd.s32 @!p0 s1  }
0x2e: {  	[bflag:$0x3] =	sbarrier.arrive $0xFFFF  }
0x2f: {  	_ =	shalt  }

</sc_bundles>
